<compile_context>
chip_gen: v7x
topology: tpu7x:2x2x1
jax: 0.10.2.dev20260603
libtpu: 0.0.44.dev20260713+nightly
codegen_flags: <defaults>
</compile_context>

<pallas_src>
import jax
import jax.numpy as jnp
from jax import lax
from jax.experimental import pallas as pl
from jax.experimental.pallas import tpu as pltpu
from jax.experimental.pallas import tpu_sc as plsc

_B, _T, _D = 64, 1025, 768
_NC, _NS, _L = 2, 16, 16
_NW = _NC * _NS
_TPW = (_T + _NW - 1) // _NW
_NJ = _D // _L


def _sc_kernel(x_hbm, pos_hbm, fm_hbm, me_hbm, out_hbm,
               xbuf, obuf, posrow, merow, fmbuf):
    wid = lax.axis_index("s") * _NC + lax.axis_index("c")
    pltpu.sync_copy(me_hbm.at[0], merow)
    t0 = wid * _TPW

    def token_body(i, carry):
        t = t0 + i

        @pl.when(t < _T)
        def _():
            pltpu.sync_copy(x_hbm.at[t], xbuf)
            pltpu.sync_copy(pos_hbm.at[t, 0], posrow)
            pltpu.sync_copy(fm_hbm.at[t], fmbuf)

            def j_body(j, carry2):
                pj = posrow[pl.ds(j * _L, _L)]
                mj = pj + merow[pl.ds(j * _L, _L)]

                def b_body(b, carry3):
                    kv = fmbuf[b, :]
                    v = xbuf[b, pl.ds(j * _L, _L)]
                    obuf[b, pl.ds(j * _L, _L)] = jnp.where(kv != 0, mj, v + pj)
                    return carry3

                lax.fori_loop(0, _B, b_body, 0)
                return carry2

            lax.fori_loop(0, _NJ, j_body, 0)
            pltpu.sync_copy(obuf, out_hbm.at[t])

        return carry

    lax.fori_loop(0, _TPW, token_body, 0)


def kernel(x, pos_embed, mask, masked_embed):
    B, T, D = x.shape
    xt = jnp.transpose(x, (1, 0, 2))
    post = jnp.transpose(pos_embed, (1, 0, 2))
    mt = mask.reshape(B, T - 1).T.astype(jnp.int32)
    fm = jnp.pad(mt, ((1, 0), (0, 0)))
    fm_exp = jnp.broadcast_to(fm[:, :, None], (T, B, _L))

    mesh = plsc.VectorSubcoreMesh(core_axis_name="c", subcore_axis_name="s")
    out_t = pl.kernel(
        _sc_kernel,
        mesh=mesh,
        out_type=jax.ShapeDtypeStruct((T, B, D), x.dtype),
        scratch_types=[
            pltpu.VMEM((B, D), jnp.float32),
            pltpu.VMEM((B, D), jnp.float32),
            pltpu.VMEM((D,), jnp.float32),
            pltpu.VMEM((D,), jnp.float32),
            pltpu.VMEM((B, _L), jnp.int32),
        ],
    )(xt, post, fm_exp, masked_embed)
    return jnp.transpose(out_t, (1, 0, 2))

# --- scband reference (transcript-rebuilt; emitter-appended) ---
"""Pipeline reference for scband-ibotmasked-modeling-33062658244710 (READ-ONLY COPY).

The authoritative reference and input builder live on the scoring server;
editing this copy changes nothing except your own understanding.
"""

import jax, jax.numpy as jnp
import numpy as np

B, T, D = 64, 1025, 768
GH, GW = 32, 32

def setup_inputs(seed: int = 0) -> dict:
    key = jax.random.key(seed)
    k1, k2, k3, k4 = jax.random.split(key, 4)
    x = jax.random.normal(k1, (B, T, D), dtype=jnp.float32)
    pos_embed = jax.random.normal(k2, (1, T, D), dtype=jnp.float32)
    mask = jax.random.randint(k3, (B, GH, GW), 0, 2).astype(bool)
    # learned parameter (nn.Parameter of shape [1, embed_dim]); torch inits to zeros,
    # use small random values so the op is numerically non-trivial
    masked_embed = jax.random.normal(k4, (1, D), dtype=jnp.float32) * 0.02
    return {"x": x, "pos_embed": pos_embed, "mask": mask, "masked_embed": masked_embed}

def reference(x, pos_embed, mask, masked_embed):
    b = x.shape[0]
    m = mask.reshape(b, -1)  # [B, N] bool, N = T-1
    feat_map = x[:, 1:]  # [B, N, D]
    # feat_map[mask, :] = masked_embed  (scatter-overwrite of masked token rows)
    feat_map = jnp.where(m[:, :, None], masked_embed.astype(x.dtype)[0][None, None, :], feat_map)
    x = jnp.concatenate([x[:, :1], feat_map], axis=1)
    return x + pos_embed

if __name__ == "__main__":
    import jax
    _d = setup_inputs()
    print(jax.jit(kernel)(*tuple(_d.values())))

</pallas_src>

<mosaic_0001>
#map = affine_map<(d0, d1) -> (0, 0, 0)>
#map1 = affine_map<(d0, d1) -> (0, 0)>
module attributes {stable_mosaic.version = 14 : i64} {
  func.func @_sc_kernel(%arg0: i32, %arg1: i32, %arg2: memref<1025x64x768xf32, #tpu.memory_space<hbm>>, %arg3: memref<1025x1x768xf32, #tpu.memory_space<hbm>>, %arg4: memref<1025x64x16xi32, #tpu.memory_space<hbm>>, %arg5: memref<1x768xf32, #tpu.memory_space<hbm>>, %arg6: memref<1025x64x768xf32, #tpu.memory_space<hbm>>, %arg7: memref<64x768xf32, #tpu.memory_space<vmem>>, %arg8: memref<64x768xf32, #tpu.memory_space<vmem>>, %arg9: memref<768xf32, #tpu.memory_space<vmem>>, %arg10: memref<768xf32, #tpu.memory_space<vmem>>, %arg11: memref<64x16xi32, #tpu.memory_space<vmem>>) attributes {dimension_semantics = [#tpu.dimension_semantics<core_parallel>, #tpu.dimension_semantics<subcore_parallel>], iteration_bounds = array<i64: 2, 16>, scalar_prefetch = 0 : i64, scratch_operands = 5 : i64, tpu.core_type = #tpu.core_type<sc_vector_subcore>, window_params = [{transform_indices = #map}, {transform_indices = #map}, {transform_indices = #map}, {transform_indices = #map1}, {transform_indices = #map}]} {
    %mul3A = arith.constant 2 : i32
    %mul3A_0 = arith.muli %arg1, %mul3A : i32
    %add3A = arith.addi %mul3A_0, %arg0 : i32
    %run_scoped3A = arith.constant 0 : i32
    "tpu.region"() ({
      %run_scoped3A_8 = tpu.sem_alloc : memref<!tpu.dma_semaphore, #tpu.memory_space<semaphore_mem>>
      %dma_start3A = arith.constant 0 : i32
      %dma_start3A_9 = tpu.memref_slice %arg5[%run_scoped3A, %dma_start3A] : memref<1x768xf32, #tpu.memory_space<hbm>> -> memref<1x768xf32, #tpu.memory_space<hbm>>
      %dma_start3A_10 = tpu.memref_squeeze %dma_start3A_9 : memref<1x768xf32, #tpu.memory_space<hbm>> -> memref<768xf32, #tpu.memory_space<hbm>>
      %dma_start3A_11 = arith.constant 0 : i32
      %dma_start3A_12 = tpu.memref_slice %arg5[%run_scoped3A, %dma_start3A_11] : memref<1x768xf32, #tpu.memory_space<hbm>> -> memref<1x768xf32, #tpu.memory_space<hbm>>
      %dma_start3A_13 = tpu.memref_squeeze %dma_start3A_12 : memref<1x768xf32, #tpu.memory_space<hbm>> -> memref<768xf32, #tpu.memory_space<hbm>>
      tpu.enqueue_dma source(%dma_start3A_13 : memref<768xf32, #tpu.memory_space<hbm>>) target(%arg10 : memref<768xf32, #tpu.memory_space<vmem>>) target_semaphore(%run_scoped3A_8 : memref<!tpu.dma_semaphore, #tpu.memory_space<semaphore_mem>>)
      %dma_wait3A = arith.constant 0 : i32
      %dma_wait3A_14 = tpu.memref_slice %arg5[%run_scoped3A, %dma_wait3A] : memref<1x768xf32, #tpu.memory_space<hbm>> -> memref<1x768xf32, #tpu.memory_space<hbm>>
      %dma_wait3A_15 = tpu.memref_squeeze %dma_wait3A_14 : memref<1x768xf32, #tpu.memory_space<hbm>> -> memref<768xf32, #tpu.memory_space<hbm>>
      %dma_wait3A_16 = arith.constant 0 : i32
      %dma_wait3A_17 = tpu.memref_slice %arg5[%run_scoped3A, %dma_wait3A_16] : memref<1x768xf32, #tpu.memory_space<hbm>> -> memref<1x768xf32, #tpu.memory_space<hbm>>
      %dma_wait3A_18 = tpu.memref_squeeze %dma_wait3A_17 : memref<1x768xf32, #tpu.memory_space<hbm>> -> memref<768xf32, #tpu.memory_space<hbm>>
      tpu.wait_dma2 semaphore(%run_scoped3A_8 : memref<!tpu.dma_semaphore, #tpu.memory_space<semaphore_mem>>) src(%dma_wait3A_18 : memref<768xf32, #tpu.memory_space<hbm>>) dst(%arg10 : memref<768xf32, #tpu.memory_space<vmem>>)
      tpu.yield
    }) : () -> ()
    %mul3A_1 = arith.constant 33 : i32
    %mul3A_2 = arith.muli %add3A, %mul3A_1 : i32
    %scan3A = arith.constant 0 : i32
    %scan3A_3 = arith.constant 0 : i32
    %scan3A_4 = arith.constant 33 : i32
    %scan3A_5 = arith.addi %scan3A_3, %scan3A_4 : i32
    %scan3A_6 = arith.constant 1 : i32
    scf.for %scan3A_8 = %scan3A_3 to %scan3A_5 step %scan3A_6  : i32 {
      %add3A_9 = arith.addi %mul3A_2, %scan3A_8 : i32
      %lt3A = arith.constant 1025 : i32
      %lt3A_10 = arith.cmpi slt, %add3A_9, %lt3A : i32
      %convert_element_type3A = arith.extui %lt3A_10 : i1 to i32
      %cond3A = arith.constant 0 : i32
      %cond3A_11 = arith.cmpi ne, %convert_element_type3A, %cond3A : i32
      scf.if %cond3A_11 {
        "tpu.region"() ({
          %run_scoped3A_19 = tpu.sem_alloc : memref<!tpu.dma_semaphore, #tpu.memory_space<semaphore_mem>>
          %dma_start3A = arith.constant 0 : i32
          %dma_start3A_20 = arith.constant 0 : i32
          %dma_start3A_21 = tpu.memref_slice %arg2[%add3A_9, %dma_start3A, %dma_start3A_20] : memref<1025x64x768xf32, #tpu.memory_space<hbm>> -> memref<1x64x768xf32, #tpu.memory_space<hbm>>
          %dma_start3A_22 = tpu.memref_squeeze %dma_start3A_21 : memref<1x64x768xf32, #tpu.memory_space<hbm>> -> memref<64x768xf32, #tpu.memory_space<hbm>>
          %dma_start3A_23 = arith.constant 0 : i32
          %dma_start3A_24 = arith.constant 0 : i32
          %dma_start3A_25 = tpu.memref_slice %arg2[%add3A_9, %dma_start3A_23, %dma_start3A_24] : memref<1025x64x768xf32, #tpu.memory_space<hbm>> -> memref<1x64x768xf32, #tpu.memory_space<hbm>>
          %dma_start3A_26 = tpu.memref_squeeze %dma_start3A_25 : memref<1x64x768xf32, #tpu.memory_space<hbm>> -> memref<64x768xf32, #tpu.memory_space<hbm>>
          tpu.enqueue_dma source(%dma_start3A_26 : memref<64x768xf32, #tpu.memory_space<hbm>>) target(%arg7 : memref<64x768xf32, #tpu.memory_space<vmem>>) target_semaphore(%run_scoped3A_19 : memref<!tpu.dma_semaphore, #tpu.memory_space<semaphore_mem>>)
          %dma_wait3A = arith.constant 0 : i32
          %dma_wait3A_27 = arith.constant 0 : i32
          %dma_wait3A_28 = tpu.memref_slice %arg2[%add3A_9, %dma_wait3A, %dma_wait3A_27] : memref<1025x64x768xf32, #tpu.memory_space<hbm>> -> memref<1x64x768xf32, #tpu.memory_space<hbm>>
          %dma_wait3A_29 = tpu.memref_squeeze %dma_wait3A_28 : memref<1x64x768xf32, #tpu.memory_space<hbm>> -> memref<64x768xf32, #tpu.memory_space<hbm>>
          %dma_wait3A_30 = arith.constant 0 : i32
          %dma_wait3A_31 = arith.constant 0 : i32
          %dma_wait3A_32 = tpu.memref_slice %arg2[%add3A_9, %dma_wait3A_30, %dma_wait3A_31] : memref<1025x64x768xf32, #tpu.memory_space<hbm>> -> memref<1x64x768xf32, #tpu.memory_space<hbm>>
          %dma_wait3A_33 = tpu.memref_squeeze %dma_wait3A_32 : memref<1x64x768xf32, #tpu.memory_space<hbm>> -> memref<64x768xf32, #tpu.memory_space<hbm>>
          tpu.wait_dma2 semaphore(%run_scoped3A_19 : memref<!tpu.dma_semaphore, #tpu.memory_space<semaphore_mem>>) src(%dma_wait3A_33 : memref<64x768xf32, #tpu.memory_space<hbm>>) dst(%arg7 : memref<64x768xf32, #tpu.memory_space<vmem>>)
          tpu.yield
        }) : () -> ()
        %run_scoped3A_12 = arith.constant 0 : i32
        "tpu.region"() ({
          %run_scoped3A_19 = tpu.sem_alloc : memref<!tpu.dma_semaphore, #tpu.memory_space<semaphore_mem>>
          %dma_start3A = arith.constant 0 : i32
          %dma_start3A_20 = tpu.memref_slice %arg3[%add3A_9, %run_scoped3A_12, %dma_start3A] : memref<1025x1x768xf32, #tpu.memory_space<hbm>> -> memref<1x1x768xf32, #tpu.memory_space<hbm>>
          %dma_start3A_21 = tpu.memref_squeeze %dma_start3A_20 : memref<1x1x768xf32, #tpu.memory_space<hbm>> -> memref<768xf32, #tpu.memory_space<hbm>>
          %dma_start3A_22 = arith.constant 0 : i32
          %dma_start3A_23 = tpu.memref_slice %arg3[%add3A_9, %run_scoped3A_12, %dma_start3A_22] : memref<1025x1x768xf32, #tpu.memory_space<hbm>> -> memref<1x1x768xf32, #tpu.memory_space<hbm>>
          %dma_start3A_24 = tpu.memref_squeeze %dma_start3A_23 : memref<1x1x768xf32, #tpu.memory_space<hbm>> -> memref<768xf32, #tpu.memory_space<hbm>>
          tpu.enqueue_dma source(%dma_start3A_24 : memref<768xf32, #tpu.memory_space<hbm>>) target(%arg9 : memref<768xf32, #tpu.memory_space<vmem>>) target_semaphore(%run_scoped3A_19 : memref<!tpu.dma_semaphore, #tpu.memory_space<semaphore_mem>>)
          %dma_wait3A = arith.constant 0 : i32
          %dma_wait3A_25 = tpu.memref_slice %arg3[%add3A_9, %run_scoped3A_12, %dma_wait3A] : memref<1025x1x768xf32, #tpu.memory_space<hbm>> -> memref<1x1x768xf32, #tpu.memory_space<hbm>>
          %dma_wait3A_26 = tpu.memref_squeeze %dma_wait3A_25 : memref<1x1x768xf32, #tpu.memory_space<hbm>> -> memref<768xf32, #tpu.memory_space<hbm>>
          %dma_wait3A_27 = arith.constant 0 : i32
          %dma_wait3A_28 = tpu.memref_slice %arg3[%add3A_9, %run_scoped3A_12, %dma_wait3A_27] : memref<1025x1x768xf32, #tpu.memory_space<hbm>> -> memref<1x1x768xf32, #tpu.memory_space<hbm>>
          %dma_wait3A_29 = tpu.memref_squeeze %dma_wait3A_28 : memref<1x1x768xf32, #tpu.memory_space<hbm>> -> memref<768xf32, #tpu.memory_space<hbm>>
          tpu.wait_dma2 semaphore(%run_scoped3A_19 : memref<!tpu.dma_semaphore, #tpu.memory_space<semaphore_mem>>) src(%dma_wait3A_29 : memref<768xf32, #tpu.memory_space<hbm>>) dst(%arg9 : memref<768xf32, #tpu.memory_space<vmem>>)
          tpu.yield
        }) : () -> ()
        "tpu.region"() ({
          %run_scoped3A_19 = tpu.sem_alloc : memref<!tpu.dma_semaphore, #tpu.memory_space<semaphore_mem>>
          %dma_start3A = arith.constant 0 : i32
          %dma_start3A_20 = arith.constant 0 : i32
          %dma_start3A_21 = tpu.memref_slice %arg4[%add3A_9, %dma_start3A, %dma_start3A_20] : memref<1025x64x16xi32, #tpu.memory_space<hbm>> -> memref<1x64x16xi32, #tpu.memory_space<hbm>>
          %dma_start3A_22 = tpu.memref_squeeze %dma_start3A_21 : memref<1x64x16xi32, #tpu.memory_space<hbm>> -> memref<64x16xi32, #tpu.memory_space<hbm>>
          %dma_start3A_23 = arith.constant 0 : i32
          %dma_start3A_24 = arith.constant 0 : i32
          %dma_start3A_25 = tpu.memref_slice %arg4[%add3A_9, %dma_start3A_23, %dma_start3A_24] : memref<1025x64x16xi32, #tpu.memory_space<hbm>> -> memref<1x64x16xi32, #tpu.memory_space<hbm>>
          %dma_start3A_26 = tpu.memref_squeeze %dma_start3A_25 : memref<1x64x16xi32, #tpu.memory_space<hbm>> -> memref<64x16xi32, #tpu.memory_space<hbm>>
          tpu.enqueue_dma source(%dma_start3A_26 : memref<64x16xi32, #tpu.memory_space<hbm>>) target(%arg11 : memref<64x16xi32, #tpu.memory_space<vmem>>) target_semaphore(%run_scoped3A_19 : memref<!tpu.dma_semaphore, #tpu.memory_space<semaphore_mem>>)
          %dma_wait3A = arith.constant 0 : i32
          %dma_wait3A_27 = arith.constant 0 : i32
          %dma_wait3A_28 = tpu.memref_slice %arg4[%add3A_9, %dma_wait3A, %dma_wait3A_27] : memref<1025x64x16xi32, #tpu.memory_space<hbm>> -> memref<1x64x16xi32, #tpu.memory_space<hbm>>
          %dma_wait3A_29 = tpu.memref_squeeze %dma_wait3A_28 : memref<1x64x16xi32, #tpu.memory_space<hbm>> -> memref<64x16xi32, #tpu.memory_space<hbm>>
          %dma_wait3A_30 = arith.constant 0 : i32
          %dma_wait3A_31 = arith.constant 0 : i32
          %dma_wait3A_32 = tpu.memref_slice %arg4[%add3A_9, %dma_wait3A_30, %dma_wait3A_31] : memref<1025x64x16xi32, #tpu.memory_space<hbm>> -> memref<1x64x16xi32, #tpu.memory_space<hbm>>
          %dma_wait3A_33 = tpu.memref_squeeze %dma_wait3A_32 : memref<1x64x16xi32, #tpu.memory_space<hbm>> -> memref<64x16xi32, #tpu.memory_space<hbm>>
          tpu.wait_dma2 semaphore(%run_scoped3A_19 : memref<!tpu.dma_semaphore, #tpu.memory_space<semaphore_mem>>) src(%dma_wait3A_33 : memref<64x16xi32, #tpu.memory_space<hbm>>) dst(%arg11 : memref<64x16xi32, #tpu.memory_space<vmem>>)
          tpu.yield
        }) : () -> ()
        %scan3A_13 = arith.constant 0 : i32
        %scan3A_14 = arith.constant 0 : i32
        %scan3A_15 = arith.constant 48 : i32
        %scan3A_16 = arith.addi %scan3A_14, %scan3A_15 : i32
        %scan3A_17 = arith.constant 1 : i32
        scf.for %scan3A_19 = %scan3A_14 to %scan3A_16 step %scan3A_17  : i32 {
          %mul3A_20 = arith.constant 16 : i32
          %mul3A_21 = arith.muli %scan3A_19, %mul3A_20 : i32
          %get3A = arith.index_cast %mul3A_21 : i32 to index
          %get3A_22 = tpu.vector_load %arg9[%get3A] {strides = array<i32>} : memref<768xf32, #tpu.memory_space<vmem>>, vector<16xf32>,
          %get3A_23 = vector.shape_cast %get3A_22 : vector<16xf32> to vector<16xf32>
          %mul3A_24 = arith.constant 16 : i32
          %mul3A_25 = arith.muli %scan3A_19, %mul3A_24 : i32
          %get3A_26 = arith.index_cast %mul3A_25 : i32 to index
          %get3A_27 = tpu.vector_load %arg10[%get3A_26] {strides = array<i32>} : memref<768xf32, #tpu.memory_space<vmem>>, vector<16xf32>,
          %get3A_28 = vector.shape_cast %get3A_27 : vector<16xf32> to vector<16xf32>
          %add3A_29 = arith.addf %get3A_23, %get3A_28 : vector<16xf32>
          %scan3A_30 = arith.constant 0 : i32
          %scan3A_31 = arith.constant 0 : i32
          %scan3A_32 = arith.constant 64 : i32
          %scan3A_33 = arith.addi %scan3A_31, %scan3A_32 : i32
          %scan3A_34 = arith.constant 1 : i32
          scf.for %scan3A_36 = %scan3A_31 to %scan3A_33 step %scan3A_34  : i32 {
            %get3A_37 = arith.index_cast %scan3A_36 : i32 to index
            %get3A_38 = arith.constant 0 : index
            %get3A_39 = tpu.vector_load %arg11[%get3A_37, %get3A_38] {strides = array<i32>} : memref<64x16xi32, #tpu.memory_space<vmem>>, vector<1x16xi32>,
            %get3A_40 = vector.shape_cast %get3A_39 : vector<1x16xi32> to vector<16xi32>
            %mul3A_41 = arith.constant 16 : i32
            %mul3A_42 = arith.muli %scan3A_19, %mul3A_41 : i32
            %get3A_43 = arith.index_cast %scan3A_36 : i32 to index
            %get3A_44 = arith.index_cast %mul3A_42 : i32 to index
            %get3A_45 = tpu.vector_load %arg7[%get3A_43, %get3A_44] {strides = array<i32>} : memref<64x768xf32, #tpu.memory_space<vmem>>, vector<1x16xf32>,
            %get3A_46 = vector.shape_cast %get3A_45 : vector<1x16xf32> to vector<16xf32>
            %ne3A = arith.constant 0 : i32
            %ne3A_47 = vector.broadcast %ne3A : i32 to vector<16xi32>
            %ne3A_48 = arith.cmpi ne, %get3A_40, %ne3A_47 : vector<16xi32>
            %add3A_49 = arith.addf %get3A_46, %get3A_23 : vector<16xf32>
            %select_n3A = arith.select %ne3A_48, %add3A_29, %add3A_49 : vector<16xi1>, vector<16xf32>
            %mul3A_50 = arith.constant 16 : i32
            %mul3A_51 = arith.muli %scan3A_19, %mul3A_50 : i32
            %swap3A = arith.index_cast %scan3A_36 : i32 to index
            %swap3A_52 = arith.index_cast %mul3A_51 : i32 to index
            %swap3A_53 = tpu.vector_load %arg8[%swap3A, %swap3A_52] {strides = array<i32>} : memref<64x768xf32, #tpu.memory_space<vmem>>, vector<1x16xf32>,
            %swap3A_54 = vector.shape_cast %swap3A_53 : vector<1x16xf32> to vector<16xf32>
            %swap3A_55 = vector.shape_cast %select_n3A : vector<16xf32> to vector<1x16xf32>
            tpu.vector_store %arg8[%swap3A, %swap3A_52], %swap3A_55 {strides = array<i32>} : memref<64x768xf32, #tpu.memory_space<vmem>>, vector<1x16xf32>,
          }
          %scan3A_35 = arith.constant 64 : i32
        }
        %scan3A_18 = arith.constant 48 : i32
        "tpu.region"() ({
          %run_scoped3A_19 = tpu.sem_alloc : memref<!tpu.dma_semaphore, #tpu.memory_space<semaphore_mem>>
          %dma_start3A = arith.constant 0 : i32
          %dma_start3A_20 = arith.constant 0 : i32
          %dma_start3A_21 = tpu.memref_slice %arg6[%add3A_9, %dma_start3A, %dma_start3A_20] : memref<1025x64x768xf32, #tpu.memory_space<hbm>> -> memref<1x64x768xf32, #tpu.memory_space<hbm>>
          %dma_start3A_22 = tpu.memref_squeeze %dma_start3A_21 : memref<1x64x768xf32, #tpu.memory_space<hbm>> -> memref<64x768xf32, #tpu.memory_space<hbm>>
          %dma_start3A_23 = arith.constant 0 : i32
          %dma_start3A_24 = arith.constant 0 : i32
          %dma_start3A_25 = tpu.memref_slice %arg6[%add3A_9, %dma_start3A_23, %dma_start3A_24] : memref<1025x64x768xf32, #tpu.memory_space<hbm>> -> memref<1x64x768xf32, #tpu.memory_space<hbm>>
          %dma_start3A_26 = tpu.memref_squeeze %dma_start3A_25 : memref<1x64x768xf32, #tpu.memory_space<hbm>> -> memref<64x768xf32, #tpu.memory_space<hbm>>
          tpu.enqueue_dma source(%arg8 : memref<64x768xf32, #tpu.memory_space<vmem>>) target(%dma_start3A_26 : memref<64x768xf32, #tpu.memory_space<hbm>>) target_semaphore(%run_scoped3A_19 : memref<!tpu.dma_semaphore, #tpu.memory_space<semaphore_mem>>)
          %dma_wait3A = arith.constant 0 : i32
          %dma_wait3A_27 = arith.constant 0 : i32
          %dma_wait3A_28 = tpu.memref_slice %arg6[%add3A_9, %dma_wait3A, %dma_wait3A_27] : memref<1025x64x768xf32, #tpu.memory_space<hbm>> -> memref<1x64x768xf32, #tpu.memory_space<hbm>>
          %dma_wait3A_29 = tpu.memref_squeeze %dma_wait3A_28 : memref<1x64x768xf32, #tpu.memory_space<hbm>> -> memref<64x768xf32, #tpu.memory_space<hbm>>
          %dma_wait3A_30 = arith.constant 0 : i32
          %dma_wait3A_31 = arith.constant 0 : i32
          %dma_wait3A_32 = tpu.memref_slice %arg6[%add3A_9, %dma_wait3A_30, %dma_wait3A_31] : memref<1025x64x768xf32, #tpu.memory_space<hbm>> -> memref<1x64x768xf32, #tpu.memory_space<hbm>>
          %dma_wait3A_33 = tpu.memref_squeeze %dma_wait3A_32 : memref<1x64x768xf32, #tpu.memory_space<hbm>> -> memref<64x768xf32, #tpu.memory_space<hbm>>
          tpu.wait_dma2 semaphore(%run_scoped3A_19 : memref<!tpu.dma_semaphore, #tpu.memory_space<semaphore_mem>>) src(%arg8 : memref<64x768xf32, #tpu.memory_space<vmem>>) dst(%dma_wait3A_33 : memref<64x768xf32, #tpu.memory_space<hbm>>)
          tpu.yield
        }) : () -> ()
      } else {
      }
    }
    %scan3A_7 = arith.constant 33 : i32
    return
  }
}

</mosaic_0001>

<sc_bundles>
// kernel: kernel.3.cloned.1.call-start
scs
__scs_entry_jumppad:
0x0: {  	(pc) =	sbr.rel $0x88, $3  }
0x1: {  	(tag) =	ssettag $0x0;
	lr =	simm.s32 $0x1  }
0x2: {  	[smem:$0x3F9D] =	sst lr;
	_ =	strace $0xD0000000  }
0x3: {  	_ = 	snop  }
0x4: {  	_ = 	snop  }
0x5: {  	_ = 	snop  }
0x6: {  	_ = 	snop  }
0x7: {  	_ = 	snop  }
__scs_overlays_trampoline_lowered:
0x8: {  	[smem:$0x3FAC] =	sst s0  }
0x9: {  	[smem:$0x3FAD] =	sst s1  }
0xa: {  	[smem:$0x3FAE] =	sst s2  }
0xb: {  	[smem:$0x3FAF] =	sst s3  }
0xc: {  	[smem:$0x3FB0] =	sst s4  }
0xd: {  	[smem:$0x3FB1] =	sst s5  }
0xe: {  	[smem:$0x3FB2] =	sst s6  }
0xf: {  	[smem:$0x3FB3] =	sst s7  }
0x10: {  	[smem:$0x3FB4] =	sst s8  }
0x11: {  	[smem:$0x3FB5] =	sst s9;
	s0 =	simm.s32 @!p0 $0x0  }
0x12: {  	s1 =	sld [smem:$0x3F9B];
	s0 =	simm.s32 @p0 $0x1  }
0x13: {  	[smem:$0x3FB6] =	sst s0;
	s0 =	simm.s32 @!p1 $0x0  }
0x14: {  	s2 =	sld [smem:$0x3F9A];
	s0 =	simm.s32 @p1 $0x1  }
0x15: {  	[smem:$0x3FB7] =	sst s0;
	s0 =	simm.s32 @!p2 $0x0  }
0x16: {  	s3 =	sld [smem:$0x3FDB];
	s0 =	simm.s32 @p2 $0x1  }
0x17: {  	s4 =	simm.s32 $0x1BF5;
	[smem:$0x3FB9] =	sst s0  }
0x18: {  	s0 =	sld [smem:$0x3F9C];
	_ =	swait.ge [sflag:s4], $0x0  }
0x19: {  	s7 =	sld [smem:$0x3F9D]  }
0x1a: {  	s8 =	sadd.s32 $0xFFFFE003, lr  }
0x1b: {  	s9 =	sadd.s32 $0xFFFFFEF7, lr;
	s5 =	simm.s32 $0xFFFFFFFF;
	p2 =	slt.u32 s8, $0xFFFFF086  }
0x1c: {  	p1 =	slt.u32 s9, $0xF7A;
	s5 =	simm.s32 @!p2 $0x0  }
0x1d: {  	s5 =	simm.s32 @p1 $0x1;
	p0 =	seq.s32 s7, s2  }
0x1e: {  	s7 =	smul.u32 @!p0 $0xF7A, s2;
	p2 =	seq.s32 @!p0 s5, $0x0  }
0x1f: {  	s9 =	smul.u32 $0xF7A, s1;
	s8 =	simm.s32 @!p0 $0x1BF5;
	p2 =	por !p2, p0  }
0x20: {  	[sflag:s8] =	ssyncset.s32 @!p0 $0xFFFFF086;
	s6 =	sadd.s32 @!p0 s3, s7;
	s7 =	simm.s32 @!p0 $0x108  }
0x21: {  	s3 =	sadd.s32 s3, s9;
	s6 =	sadd.s32 @!p0 $0x88, s6;
	s7 =	simm.s32 @p2 $0x1082  }
0x22: {  	[simem:s7], [sflag:s8] =	dma.local @!p0 [hbm:s6], $0xF7A  }
0x23: {  	s9 =	sor.u32 $0xD0000000, s2;
	s6 =	simm.s32 $0x108;
	_ =	swait.ge @!p0 [sflag:s8], $0x0  }
0x24: {  	s3 =	sadd.s32 $0x88, s3;
	s6 =	simm.s32 @!p1 $0x1082;
	[sflag:s4] =	ssyncset.s32 $0xFFFFF086  }
0x25: {  	[simem:s6], [sflag:s4] =	dma.local [hbm:s3], $0xF7A  }
0x26: {  	[smem:$0x3F9D] =	sst s1;
	(tag) =	ssettag s2;
	_ =	strace s9  }
0x27: {  	s1 =	sld [smem:$0x3FAD]  }
0x28: {  	s2 =	sld [smem:$0x3FAE]  }
0x29: {  	s4 =	sld [smem:$0x3FB0]  }
0x2a: {  	p0 =	seq.s32 s5, $0x0;
	s5 =	sld [smem:$0x3FB1]  }
0x2b: {  	s6 =	sld [smem:$0x3FB2]  }
0x2c: {  	s7 =	sld [smem:$0x3FB3]  }
0x2d: {  	s3 =	simm.s32 $0x108;
	s8 =	sld [smem:$0x3FB4]  }
0x2e: {  	s3 =	simm.s32 @!p0 $0x1082;
	s9 =	sld [smem:$0x3FB5]  }
0x2f: {  	lr =	sadd.s32 s0, s3;
	s0 =	sld [smem:$0x3FAC]  }
0x30: {  	s3 =	sld [smem:$0x3FAF]  }
0x31: {  	[smem:$0x3FB8] =	sst s10  }
0x32: {  	s10 =	sld [smem:$0x3FB6];
	_ =	sdelay $0x3  }
0x33: {  	p0 =	seq.s32 s10, $0x1;
	s10 =	sld [smem:$0x3FB8];
	_ =	sdelay $0x3  }
0x34: {  	[smem:$0x3FB8] =	sst s10  }
0x35: {  	s10 =	sld [smem:$0x3FB7];
	_ =	sdelay $0x3  }
0x36: {  	p1 =	seq.s32 s10, $0x1;
	s10 =	sld [smem:$0x3FB8];
	_ =	sdelay $0x3  }
0x37: {  	[smem:$0x3FB8] =	sst s10  }
0x38: {  	s10 =	sld [smem:$0x3FB9]  }
0x39: {  	_ = 	snop;
	(pc) =	sbr.ind lr, $3  }
0x3a: {  	_ = 	snop  }
0x3b: {  	_ = 	snop  }
0x3c: {  	p2 =	seq.s32 s10, $0x1;
	s10 =	sld [smem:$0x3FB8]  }
0x3d: {  	_ =	shalt  }
0x3e: {  	_ =	shalt  }
0x3f: {  	_ =	shalt  }
0x40: {  	_ =	shalt  }
0x41: {  	_ =	shalt  }
0x42: {  	_ =	shalt  }
0x43: {  	_ =	shalt  }
0x44: {  	_ =	shalt  }
0x45: {  	_ =	shalt  }
0x46: {  	_ =	shalt  }
0x47: {  	_ =	shalt  }
0x48: {  	_ =	shalt  }
0x49: {  	_ =	shalt  }
0x4a: {  	_ =	shalt  }
0x4b: {  	_ =	shalt  }
0x4c: {  	_ =	shalt  }
0x4d: {  	_ =	shalt  }
0x4e: {  	_ =	shalt  }
0x4f: {  	_ =	shalt  }
0x50: {  	_ =	shalt  }
0x51: {  	_ =	shalt  }
0x52: {  	_ =	shalt  }
0x53: {  	_ =	shalt  }
0x54: {  	_ =	shalt  }
0x55: {  	_ =	shalt  }
0x56: {  	_ =	shalt  }
0x57: {  	_ =	shalt  }
0x58: {  	_ =	shalt  }
0x59: {  	_ =	shalt  }
0x5a: {  	_ =	shalt  }
0x5b: {  	_ =	shalt  }
0x5c: {  	_ =	shalt  }
0x5d: {  	_ =	shalt  }
0x5e: {  	_ =	shalt  }
0x5f: {  	_ =	shalt  }
0x60: {  	_ =	shalt  }
0x61: {  	_ =	shalt  }
0x62: {  	_ =	shalt  }
0x63: {  	_ =	shalt  }
0x64: {  	_ =	shalt  }
0x65: {  	_ =	shalt  }
0x66: {  	_ =	shalt  }
0x67: {  	_ =	shalt  }
0x68: {  	_ =	shalt  }
0x69: {  	_ =	shalt  }
0x6a: {  	_ =	shalt  }
0x6b: {  	_ =	shalt  }
0x6c: {  	_ =	shalt  }
0x6d: {  	_ =	shalt  }
0x6e: {  	_ =	shalt  }
0x6f: {  	_ =	shalt  }
0x70: {  	_ =	shalt  }
0x71: {  	_ =	shalt  }
0x72: {  	_ =	shalt  }
0x73: {  	_ =	shalt  }
0x74: {  	_ =	shalt  }
0x75: {  	_ =	shalt  }
0x76: {  	_ =	shalt  }
0x77: {  	_ =	shalt  }
0x78: {  	_ =	shalt  }
0x79: {  	_ =	shalt  }
0x7a: {  	_ =	shalt  }
0x7b: {  	_ =	shalt  }
0x7c: {  	_ =	shalt  }
0x7d: {  	_ =	shalt  }
0x7e: {  	_ =	shalt  }
0x7f: {  	_ =	shalt  }
0x80: {  	_ =	shalt  }
0x81: {  	_ =	shalt  }
0x82: {  	_ =	shalt  }
0x83: {  	_ =	shalt  }
0x84: {  	_ =	shalt  }
0x85: {  	_ =	shalt  }
0x86: {  	_ =	shalt  }
0x87: {  	_ =	shalt  }
.Lfunc_end0:
.L_simem_size_0:
called_computation_lowered:
.L_overlay_start_0:
0x88: {  	s2 =	sld [smem:$0x3FD9]  }
0x89: {  	s3 =	sld [smem:$0x3FFE];
	_ =	sdelay $0x1  }
0x8a: {  	s1 =	srdreg.scid  }
0x8b: {  	s0 =	sand.u32 $0x1, s1  }
0x8c: {  	s17 =	sshll.u32 s0, $0xA;
	s2 =	sadd.s32 s3, s2  }
0x8d: {  	s2 =	sadd.s32 s2, s17  }
0x8e: {  	[smem:$0x3FC4] =	sst s2  }
0x8f: {  	_ = 	snop  }
0x90: {  	s2 =	sld [smem:$0x3FC9]  }
0x91: {  	s18 =	sld [smem:$0x3FC8]  }
0x92: {  	s4 =	sld [smem:$0x3FC6]  }
0x93: {  	s5 =	sld [smem:$0x3FD0];
	(tm) =	ssettm $0x1  }
0x94: {  	s6 =	sld [smem:$0x3FFB];
	_ =	sdelay $0x3  }
0x95: {  	_ =	strace s6  }
0x96: {  	s6 =	sld [smem:$0x3FFC];
	_ =	sdelay $0x3  }
0x97: {  	_ =	strace s6  }
0x98: {  	s6 =	sld [smem:$0x3FFD];
	_ =	sdelay $0x3  }
0x99: {  	_ =	strace s6  }
0x9a: {  	_ =	strace $0x8FFFFFFF  }
0x9b: {  	s19 =	sld [smem:$0x3FDB];
	_ =	sdelay $0x1  }
0x9c: {  	s7 =	simm.s32 $_scs_section_size  }
0x9d: {  	s8 =	simm.s32 $_size__tile_overlayer_lowered;
	s9 =	simm.s32 $_tile_overlayer_lowered  }
0x9e: {  	s22 =	simm.s32 $0x1BFF;
	s21 =	sshll.u32 s9, $0x1;
	s6 =	sadd.s32 s7, s19  }
0x9f: {  	s10 =	simm.s32 $0x0;
	s20 =	sshll.u32 s8, $0x1;
	s8 =	sadd.s32 s21, s6  }
0xa0: {  	[timem:s10], [sflag:s22] =	dma.local [hbm:s8], s20  }
0xa1: {  	_ =	swait.ge [sflag:s22], s20  }
0xa2: {  	s7 =	ssub.s32 $0x0, s20;
	[sflag:s22] =	ssyncset.done $0x0  }
0xa3: {  	[sflag:s22] =	ssyncadd.s32 s7;
	_ =	sdelay $0x1  }
0xa4: {  	s23 =	simm.s32 $0x1B8B  }
0xa5: {  	_ =	swait.ge [sflag:s23], $0x1  }
0xa6: {  	[sflag:s23] =	ssyncset.done $0x0  }
0xa7: {  	s25 =	simm.s32 $0x1B8E;
	s24 =	sld [smem:$0x3FFE];
	[sflag:s23] =	ssyncadd.s32 $0xFFFFFFFF  }
0xa8: {  	s26 =	simm.s32 $execute0_lowered;
	[smem:$0x3FD2] =	sst s25  }
0xa9: {  	s8 =	sshll.u32 s26, $0x1;
	_ =	strace $0x80000046;
	[dreg:$0x1] =	wrdreg $0xFFFFFFFF  }
0xaa: {  	s28 =	simm.s32 $_size_execute0_lowered;
	s6 =	sadd.s32 s6, s8;
	[dreg:$0x0] =	wrdreg $0x0  }
0xab: {  	s8 =	sshll.u32 s28, $0x1;
	[dreg:$0x2] =	wrdreg s6  }
0xac: {  	[dreg:$0x3] =	wrdreg s8  }
0xad: {  	[dreg:$0x4] =	wrdreg $0xC0  }
0xae: {  	_ =	task [dreg:s10], $0x5FFFF  }
0xaf: {  	[dreg:$0x1] =	wrdreg $0xFFFFFFFF  }
0xb0: {  	[dreg:$0x0] =	wrdreg $0x60  }
0xb1: {  	[dreg:$0x2] =	wrdreg s2  }
0xb2: {  	[dreg:$0x3] =	wrdreg s18  }
0xb3: {  	[dreg:$0x4] =	wrdreg s24  }
0xb4: {  	[dreg:$0x5] =	wrdreg s4  }
0xb5: {  	[dreg:$0x6] =	wrdreg s5  }
0xb6: {  	[dreg:$0x7] =	wrdreg $0x9  }
0xb7: {  	_ =	task.clear_ibuf [dreg:s10], $0x8FFFF;
	_ =	strace $0x90000046  }
0xb8: {  	s29 =	simm.s32 $0x9;
	_ =	strace $0x80000048  }
0xb9: {  	_ =	swait.ge [sflag:s29], $0x1  }
0xba: {  	[sflag:s29] =	ssyncadd.s32 $0xFFFFFFFF  }
0xbb: {  	_ =	strace $0x90000048  }
0xbc: {  	_ =	sfence  }
0xbd: {  	s30 =	sld [smem:$0x0];
	_ =	sdelay $0x2  }
0xbe: {  	s31 =	sshll.u32 s1, $0xD;
	s1 =	sshrl.u32 s1, $0x2  }
0xbf: {  	s3 =	sand.u32 $0x4000, s31;
	s1 =	sadd.s32 s1, s30  }
0xc0: {  	s0 =	sor.u32 s3, s0;
	s1 =	sshll.u32 s1, $0x11  }
0xc1: {  	s0 =	sor.u32 s1, s0  }
0xc2: {  	s0 =	sadd.s32 $0x8F2B, s0  }
0xc3: {  	[sflag:s0] =	ssyncadd.remote.s32 $0x1  }
0xc4: {  	_ =	sfence.sel $0xFFFF  }
0xc5: {  	[dreg:$0x0] =	wrdreg $0xFFFFFFFF;
	(pc) =	sbr.abs _section_cstart, $3  }
0xc6: {  	[dreg:$0x1] =	wrdreg $0xFFFFFFFF  }
0xc7: {  	_ =	task.clear_ibuf [dreg:s10], $0x2FFFF;
	_ =	strace $0x9FFFFFFF  }
0xc8: {  	(tm) =	ssettm $0x7FFFFFFF  }
0xc9: {  	_ =	shalt  }
tec
execute0_lowered:
.L_overlay_start_1:
0x0: {  	(tag) =	ssettag $0x1  }
0x1: {  	s1 =	rddreg [dreg:$0x0]  }
0x2: {  	s2 =	rddreg [dreg:$0x1]  }
0x3: {  	s7 =	rddreg [dreg:$0x2]  }
0x4: {  	s3 =	rddreg [dreg:$0x3]  }
0x5: {  	s4 =	rddreg [dreg:$0x4]  }
0x6: {  	s5 =	srdreg.scid;
	s0 =	rddreg [dreg:$0x5];
	s6 =	simm.s32 $0x0  }
0x7: {  	s12 =	simm.s32 $0x2;
	s13 =	simm.s32 $0x18000;
	s14 =	simm.s32 $0x18600  }
0x8: {  	s15 =	simm.s32 $0xC000;
	s16 =	simm.s32 $0x0;
	s19 =	simm.s32 $0x0  }
.Ltmp0:
0x9: {  	s8 =	sand.u32 $0x1, s5;
	[smem:$0x7FF] =	sst s6;
	(pc) =	sbr.rel .LBB2_1-.Ltmp0, $4  }
0xa: {  	s5 =	stileid.u32;
	s7 =	sadd.s32 $0x400, s7;
	s9 =	ssub.s32 $0x2, s8  }
0xb: {  	_ =	strace $0x80000047;
	s11 =	sshll.u32 s5, $0x1;
	s10 =	sshrl.u32 s9, $0x1  }
0xc: {  	s8 =	sor.u32 s8, s11;
	s11 =	simm.s32 $0x1;
	s9 =	ssub.s32 s9, s10  }
0xd: {  	s8 =	smul.u32 $0x21, s8;
	s10 =	simm.s32 $0x18300;
	s9 =	smax.u32 s9, $0x1  }
.LBB2_9:
0xe: {  	s16 =	sadd.s32 $0x1, s16  }
0xf: {  	p0 =	sne.s32 s16, s9  }
.Ltmp1:
0x10: {  	_ = 	snop;
	(pc) =	sbr.rel @!p0 .LBB2_10-.Ltmp1, $1  }
0x11: {  	_ =	sdelay $0x3  }
.LBB2_1:
.Ltmp2:
0x12: {  	(pc) =	sbr.rel .LBB2_2-.Ltmp2, $4  }
0x13: {  	[tilespmem:s10], [sflag:$0x1] =	stream.linear.gather [hbm4b:s3+s6], $0x300, $0x38;
	[tilespmem:$0x1A600] =	vst v63  }
0x14: {  	_ =	swait.ge [sflag:s11], $0x300  }
0x15: {  	[sflag:s11] =	ssyncset.done $0x0  }
0x16: {  	s17 =	simm.s32 $0x0;
	[sflag:s11] =	ssyncadd.s32 $0xFFFFFD00  }
.LBB2_8:
0x17: {  	s17 =	sadd.s32 $0x1, s17  }
0x18: {  	p0 =	sne.s32 s17, $0x21  }
.Ltmp3:
0x19: {  	_ = 	snop;
	(pc) =	sbr.rel @!p0 .LBB2_9-.Ltmp3, $1  }
0x1a: {  	_ =	sdelay $0x3  }
.LBB2_2:
0x1b: {  	s20 =	sadd.s32 s8, s17  }
0x1c: {  	p0 =	sgt.u32 s20, $0x400  }
.Ltmp4:
0x1d: {  	_ = 	snop;
	(pc) =	sbr.rel @p0 .LBB2_8-.Ltmp4, $1  }
0x1e: {  	_ =	sdelay $0x3  }
0x1f: {  	s18 =	smul.u32 $0x1800, s20;
	_ =	sdelay $0x1  }
0x20: {  	s21 =	sadd.s32 s1, s18  }
0x21: {  	[tilespmem:s19], [sflag:$0x2] =	stream.linear.gather [hbm4b:s21+s19], $0xC000, $0x38;
	[tilespmem:$0x1A600] =	vst v63  }
0x22: {  	s30 =	smul.u32 $0x60, s20;
	_ =	swait.ge [sflag:s12], $0xC000  }
0x23: {  	[sflag:s12] =	ssyncset.done $0x0  }
0x24: {  	s21 =	sadd.s32 s2, s30;
	[sflag:s12] =	ssyncadd.s32 $0xFFFF4000  }
0x25: {  	[tilespmem:s13], [sflag:$0x2] =	stream.linear.gather [hbm4b:s21+s19], $0x300, $0x38;
	[tilespmem:$0x1A600] =	vst v63  }
0x26: {  	_ =	swait.ge [sflag:s12], $0x300  }
0x27: {  	s31 =	sshll.u32 s20, $0xA;
	[sflag:s12] =	ssyncset.done $0x0  }
0x28: {  	s20 =	sadd.s32 s7, s31;
	[sflag:s12] =	ssyncadd.s32 $0xFFFFFD00  }
0x29: {  	[tilespmem:s14], [sflag:$0x2] =	stream.linear.gather [hbm4b:s20+s19], $0x2000, $0x38;
	[tilespmem:$0x1A600] =	vst v63  }
0x2a: {  	_ =	swait.ge [sflag:s12], $0x2000  }
0x2b: {  	[sflag:s12] =	ssyncset.done $0x0  }
0x2c: {  	s20 =	simm.s32 $0x0;
	[sflag:s12] =	ssyncadd.s32 $0xFFFFE000  }
.LBB2_4:
0x2d: {  	s22 =	simm.s32 $0x0  }
0x2e: {  	s23 =	sshll.u32 s20, $0x7;
	s22 =	smul.u32 $0x1800, s22  }
0x2f: {  	s21 =	simm.s32 $0x18600;
	s23 =	sand.u32 $0x1C00, s23  }
0x30: {  	s24 =	sshll.u32 s20, $0x4;
	s26 =	sand.u32 $0x380, s19;
	v3 =	vld [tilespmem:s21+$0x0];
	s25 =	sadd.s32 s23, s22  }
0x31: {  	v0 =	vld [tilespmem:s24+$0x18000];
	s22 =	sand.u32 $0x70, s24;
	s25 =	sor.u32 s26, s25  }
0x32: {  	v1 =	vld [tilespmem:s24+$0x18300];
	s24 =	sor.u32 s22, s25  }
0x33: {  	v2 =	vld [tilespmem:s24+$0x0];
	_ =	sdelay $0x3  }
0x34: {  	s28 =	simm.s32 $0x0;
	s26 =	simm.s32 $0x2;
	s25 =	simm.s32 $0x0;
	vm0 =	veq.s32 v3, $0x0  }
.LBB2_5:
0x35: {  	p0 =	sne.s32 s26, $0x3F;
	s28 =	smul.u32 $0x1800, s28;
	v2 =	vsel vm0, v2, v1  }
0x36: {  	s25 =	sadd.s32 $0x80, s25;
	v2 =	vadd.f32 v2, v0  }
0x37: {  	s29 =	sand.u32 $0x380, s25;
	s28 =	sadd.s32 s23, s28  }
0x38: {  	s21 =	sadd.s32 $0x80, s21;
	s28 =	sor.u32 s29, s28;
	[tilespmem:s24+$0xC000] =	vst v2  }
0x39: {  	v3 =	vld [tilespmem:s21+$0x0];
	s24 =	sor.u32 s22, s28  }
.Ltmp5:
0x3a: {  	v2 =	vld [tilespmem:s24+$0x0];
	(pc) =	sbr.rel @p0 .LBB2_5-.Ltmp5, $2  }
0x3b: {  	_ =	sdelay $0x2  }
0x3c: {  	s28 =	sshrl.u32 s26, $0x3;
	s26 =	sadd.s32 $0x1, s26;
	vm0 =	veq.s32 v3, $0x0  }
0x3d: {  	s26 =	smul.u32 $0x1800, s28;
	v2 =	vsel vm0, v2, v1  }
0x3e: {  	s25 =	sadd.s32 $0x80, s25;
	v2 =	vadd.f32 v2, v0  }
0x3f: {  	s25 =	sand.u32 $0x380, s25;
	s23 =	sadd.s32 s23, s26  }
0x40: {  	s21 =	sadd.s32 $0x80, s21;
	s23 =	sor.u32 s25, s23;
	[tilespmem:s24+$0xC000] =	vst v2  }
0x41: {  	v2 =	vld [tilespmem:s21+$0x0];
	s31 =	sor.u32 s22, s23  }
0x42: {  	v3 =	vld [tilespmem:s31+$0x0];
	_ =	sdelay $0x1  }
0x43: {  	s20 =	sadd.s32 $0x1, s20  }
0x44: {  	p0 =	sne.s32 s20, $0x30  }
.Ltmp6:
0x45: {  	vm15 =	veq.s32 v2, $0x0;
	(pc) =	sbr.rel @p0 .LBB2_4-.Ltmp6, $3  }
0x46: {  	v62 =	vsel vm15, v3, v1  }
0x47: {  	v63 =	vadd.f32 v62, v0;
	_ =	sdelay $0x1  }
0x48: {  	[tilespmem:s31+$0xC000] =	vst v63  }
.Ltmp7:
0x49: {  	s18 =	sadd.s32 s4, s18;
	(pc) =	sbr.rel .LBB2_8-.Ltmp7, $4  }
0x4a: {  	[hbm4b:s18+s6] =	stream.linear.scatter [tilespmem:s15], [sflag:$0x1], $0xC000, $0x38;
	[tilespmem:$0x1A600] =	vst v63  }
0x4b: {  	_ =	swait.ge [sflag:s11], $0xC000  }
0x4c: {  	[sflag:s11] =	ssyncset.done $0x0  }
0x4d: {  	[sflag:s11] =	ssyncadd.s32 $0xFFFF4000  }
.LBB2_10:
0x4e: {  	_ =	sfence.sel $0x180000  }
0x4f: {  	[bflag:$0x0] =	sbarrier.arrive $0xFFFF  }
0x50: {  	p0 =	sne.s32 s5, $0x0;
	_ =	strace $0x90000047  }
0x51: {  	s0 =	sadd.s32 @!p0 $0x100000, s0;
	[bflag:$0x2] =	sbarrier.arrive $0xFFFF  }
0x52: {  	[sflag:s0] =	ssyncadd.tile.s32 @!p0 $0x1;
	_ =	shalt  }
.Lfunc_end2:
_tile_overlayer_lowered:
.L_overlay_start_2:
0x53: {  	(tag) =	ssettag $0x2  }
0x54: {  	s0 =	rddreg [dreg:$0x0];
	s2 =	stileid.u32  }
0x55: {  	s1 =	rddreg [dreg:$0x1];
	p0 =	sne.s32 s2, $0x0  }
0x56: {  	s3 =	rddreg [dreg:$0x2];
	[bflag:$0x3] =	sbarrier.arrive $0xFFFF;
	s2 =	simm.s32 @!p0 $0x1C01  }
0x57: {  	[timem:s3], [sflag:s2] =	dma.local @!p0 [hbm:s0], s1  }
0x58: {  	s0 =	simm.s32 @!p0 $0x1  }
0x59: {  	_ =	swait.ge @!p0 [sflag:s0], s1  }
0x5a: {  	s1 =	ssub.s32 @!p0 $0x0, s1;
	[sflag:s0] =	ssyncset.done @!p0 $0x0  }
0x5b: {  	[sflag:s0] =	ssyncadd.s32 @!p0 s1  }
0x5c: {  	[bflag:$0x3] =	sbarrier.arrive $0xFFFF  }
0x5d: {  	_ =	shalt  }

</sc_bundles>
